<compile_context>
chip_gen: v7x
topology: tpu7x:2x2x1
jax: 0.10.2.dev20260603
libtpu: 0.0.44.dev20260713+nightly
codegen_flags: <defaults>
</compile_context>

<pallas_src>
import jax
import jax.numpy as jnp
from jax import lax
from jax.experimental import pallas as pl
from jax.experimental.pallas import tpu as pltpu
from jax.experimental.pallas import tpu_sc as plsc

_VOCAB = 100000
_EMB = 128
_DMODEL = 1024
_EPS = 1e-5

_BATCH = 4
_SEQ = 2048
_ROWS = _BATCH * _SEQ
_NW = 32
_RPW = _ROWS // _NW
_CHUNK = 128
_NCH = _RPW // _CHUNK


def _gather_body(idx_hbm, table_hbm, out_hbm, idx_v, rows_v, sem):
    c = lax.axis_index("c")
    s = lax.axis_index("s")
    wid = s * 2 + c
    pltpu.sync_copy(idx_hbm.at[pl.ds(wid * _NCH, _NCH)], idx_v)
    copies = [
        pltpu.async_copy(
            table_hbm.at[idx_v.at[j]],
            rows_v.at[pl.ds(j * _CHUNK, _CHUNK)],
            sem,
        )
        for j in range(_NCH)
    ]
    for cp in copies:
        cp.wait()
    pltpu.sync_copy(rows_v, out_hbm.at[pl.ds(wid * _RPW, _RPW)])


def _make_gather():
    return pl.kernel(
        _gather_body,
        mesh=plsc.VectorSubcoreMesh(core_axis_name="c", subcore_axis_name="s"),
        out_type=jax.ShapeDtypeStruct((_ROWS, _EMB), jnp.float32),
        scratch_types=[
            pltpu.VMEM((_NCH, _CHUNK), jnp.int32),
            pltpu.VMEM((_RPW, _EMB), jnp.float32),
            pltpu.SemaphoreType.DMA,
        ],
    )


_T = 2048


def _dense_body(te_ref, seg_ref, pe_ref, st_ref, g_ref, be_ref, w_ref, b_ref, o_ref):
    te = te_ref[0]
    segf = seg_ref[0].astype(jnp.float32)
    s0 = st_ref[0:1, :]
    s1 = st_ref[1:2, :]
    hs = te + pe_ref[...] + s0 + segf * (s1 - s0)
    mu = jnp.mean(hs, axis=1, keepdims=True)
    d = hs - mu
    var = jnp.mean(d * d, axis=1, keepdims=True)
    hsn = d * lax.rsqrt(var + _EPS) * g_ref[...] + be_ref[...]
    o_ref[0] = (
        jnp.dot(hsn, w_ref[...], preferred_element_type=jnp.float32) + b_ref[...]
    )


def _dense(te, seg, pos_table, seg_table, gamma, beta, w, b):
    grid = (_SEQ // _T, _BATCH)
    return pl.pallas_call(
        _dense_body,
        grid=grid,
        in_specs=[
            pl.BlockSpec((1, _T, _EMB), lambda j, i: (i, j, 0)),
            pl.BlockSpec((1, _T, 1), lambda j, i: (i, j, 0)),
            pl.BlockSpec((_T, _EMB), lambda j, i: (j, 0)),
            pl.BlockSpec((2, _EMB), lambda j, i: (0, 0)),
            pl.BlockSpec((1, _EMB), lambda j, i: (0, 0)),
            pl.BlockSpec((1, _EMB), lambda j, i: (0, 0)),
            pl.BlockSpec((_EMB, _DMODEL), lambda j, i: (0, 0)),
            pl.BlockSpec((1, _DMODEL), lambda j, i: (0, 0)),
        ],
        out_specs=pl.BlockSpec((1, _T, _DMODEL), lambda j, i: (i, j, 0)),
        out_shape=jax.ShapeDtypeStruct((_BATCH, _SEQ, _DMODEL), jnp.float32),
    )(te, seg, pos_table, seg_table, gamma, beta, w, b)


def kernel(tokens, segments, token_table, seg_table, pos_table, gamma, beta, W, b):
    idx = tokens.reshape(_ROWS // _CHUNK, _CHUNK)
    te = _make_gather()(idx, token_table)
    return _dense(
        te.reshape(_BATCH, _SEQ, _EMB),
        segments.reshape(_BATCH, _SEQ, 1),
        pos_table,
        seg_table,
        gamma.reshape(1, _EMB),
        beta.reshape(1, _EMB),
        W,
        b.reshape(1, _DMODEL),
    )

# --- scband reference (transcript-rebuilt; emitter-appended) ---
"""Pipeline reference for scband-factorized-embedding-28432683500191 (READ-ONLY COPY).

The authoritative reference and input builder live on the scoring server;
editing this copy changes nothing except your own understanding.
"""

import jax, jax.numpy as jnp
import numpy as np

VOCAB = 100000
POS = 2048
EMB = 128
DMODEL = 1024
PAD_ID = 0
EPS = 1e-5


def setup_inputs(seed: int = 0) -> dict:
    key = jax.random.key(seed)
    ks = jax.random.split(key, 10)
    tokens = jax.random.randint(ks[0], (4, 2048), 0, VOCAB, dtype=jnp.int64 if jax.config.jax_enable_x64 else jnp.int32).astype(jnp.int32)
    segments = jax.random.randint(ks[1], (4, 2048), 0, 2).astype(jnp.int32)
    token_table = jax.random.normal(ks[2], (VOCAB, EMB), dtype=jnp.float32) * 0.02
    token_table = token_table.at[PAD_ID].set(0.0)  # nn.Embedding padding_idx zeros
    seg_table = jax.random.normal(ks[3], (2, EMB), dtype=jnp.float32) * 0.02
    pos_table = jax.random.normal(ks[4], (POS, EMB), dtype=jnp.float32) * 0.02
    gamma = jnp.ones((EMB,), dtype=jnp.float32)
    beta = jnp.zeros((EMB,), dtype=jnp.float32)
    W = jax.random.normal(ks[5], (EMB, DMODEL), dtype=jnp.float32) * (1.0 / np.sqrt(EMB))
    b = jnp.zeros((DMODEL,), dtype=jnp.float32)
    return {"tokens": tokens, "segments": segments, "token_table": token_table,
            "seg_table": seg_table, "pos_table": pos_table, "gamma": gamma,
            "beta": beta, "W": W, "b": b}


def reference(tokens, segments, token_table, seg_table, pos_table, gamma, beta, W, b):
    te = jnp.take(token_table, tokens, axis=0)          # [B, S, EMB]
    se = jnp.take(seg_table, segments, axis=0)          # [B, S, EMB]
    positions = jnp.arange(tokens.shape[1])
    pe = jnp.take(pos_table, positions, axis=0)[None, :, :]  # [1, S, EMB]
    hs = te + se + pe
    mean = jnp.mean(hs, axis=-1, keepdims=True)
    var = jnp.mean(jnp.square(hs - mean), axis=-1, keepdims=True)
    hs = (hs - mean) / jnp.sqrt(var + EPS) * gamma + beta
    # dropout_rate=0.0 / eval mode -> identity
    return jnp.dot(hs, W) + b

if __name__ == "__main__":
    import jax
    _d = setup_inputs()
    print(jax.jit(kernel)(*tuple(_d.values())))

</pallas_src>

<mosaic_0001>
#map = affine_map<(d0, d1) -> (0, 0)>
module attributes {stable_mosaic.version = 14 : i64} {
  func.func @_gather_body(%arg0: i32, %arg1: i32, %arg2: memref<64x128xi32, #tpu.memory_space<hbm>>, %arg3: memref<100000x128xf32, #tpu.memory_space<hbm>>, %arg4: memref<8192x128xf32, #tpu.memory_space<hbm>>, %arg5: memref<2x128xi32, #tpu.memory_space<vmem>>, %arg6: memref<256x128xf32, #tpu.memory_space<vmem>>, %arg7: memref<!tpu.dma_semaphore, #tpu.memory_space<semaphore_mem>>) attributes {dimension_semantics = [#tpu.dimension_semantics<core_parallel>, #tpu.dimension_semantics<subcore_parallel>], iteration_bounds = array<i64: 2, 16>, scalar_prefetch = 0 : i64, scratch_operands = 3 : i64, tpu.core_type = #tpu.core_type<sc_vector_subcore>, window_params = [{transform_indices = #map}, {transform_indices = #map}, {transform_indices = #map}]} {
    %mul3A = arith.constant 2 : i32
    %mul3A_0 = arith.muli %arg1, %mul3A : i32
    %add3A = arith.addi %mul3A_0, %arg0 : i32
    %mul3A_1 = arith.constant 2 : i32
    %mul3A_2 = arith.muli %add3A, %mul3A_1 : i32
    "tpu.region"() ({
      %run_scoped3A = tpu.sem_alloc : memref<!tpu.dma_semaphore, #tpu.memory_space<semaphore_mem>>
      %dma_start3A_43 = arith.constant 0 : i32
      %dma_start3A_44 = tpu.memref_slice %arg2[%mul3A_2, %dma_start3A_43] : memref<64x128xi32, #tpu.memory_space<hbm>> -> memref<2x128xi32, #tpu.memory_space<hbm>>
      %dma_start3A_45 = arith.constant 0 : i32
      %dma_start3A_46 = tpu.memref_slice %arg2[%mul3A_2, %dma_start3A_45] : memref<64x128xi32, #tpu.memory_space<hbm>> -> memref<2x128xi32, #tpu.memory_space<hbm>>
      tpu.enqueue_dma source(%dma_start3A_46 : memref<2x128xi32, #tpu.memory_space<hbm>>) target(%arg5 : memref<2x128xi32, #tpu.memory_space<vmem>>) target_semaphore(%run_scoped3A : memref<!tpu.dma_semaphore, #tpu.memory_space<semaphore_mem>>)
      %dma_wait3A_47 = arith.constant 0 : i32
      %dma_wait3A_48 = tpu.memref_slice %arg2[%mul3A_2, %dma_wait3A_47] : memref<64x128xi32, #tpu.memory_space<hbm>> -> memref<2x128xi32, #tpu.memory_space<hbm>>
      %dma_wait3A_49 = arith.constant 0 : i32
      %dma_wait3A_50 = tpu.memref_slice %arg2[%mul3A_2, %dma_wait3A_49] : memref<64x128xi32, #tpu.memory_space<hbm>> -> memref<2x128xi32, #tpu.memory_space<hbm>>
      tpu.wait_dma2 semaphore(%run_scoped3A : memref<!tpu.dma_semaphore, #tpu.memory_space<semaphore_mem>>) src(%dma_wait3A_50 : memref<2x128xi32, #tpu.memory_space<hbm>>) dst(%arg5 : memref<2x128xi32, #tpu.memory_space<vmem>>)
      tpu.yield
    }) : () -> ()
    %dma_start3A = arith.constant 0 : i32
    %dma_start3A_3 = arith.constant 0 : i32
    %dma_start3A_4 = arith.constant 0 : i32
    %dma_start3A_5 = tpu.memref_slice %arg6[%dma_start3A_3, %dma_start3A_4] : memref<256x128xf32, #tpu.memory_space<vmem>> -> memref<128x128xf32, #tpu.memory_space<vmem>>
    %dma_start3A_6 = arith.constant 0 : i32
    %dma_start3A_7 = tpu.memref_slice %arg5[%dma_start3A, %dma_start3A_6] : memref<2x128xi32, #tpu.memory_space<vmem>> -> memref<1x128xi32, #tpu.memory_space<vmem>>
    %dma_start3A_8 = tpu.memref_squeeze %dma_start3A_7 : memref<1x128xi32, #tpu.memory_space<vmem>> -> memref<128xi32, #tpu.memory_space<vmem>>
    %dma_start3A_9 = arith.constant 0 : i32
    %dma_start3A_10 = arith.constant 0 : i32
    %dma_start3A_11 = tpu.memref_slice %arg3[%dma_start3A_9, %dma_start3A_10] : memref<100000x128xf32, #tpu.memory_space<hbm>> -> memref<100000x128xf32, #tpu.memory_space<hbm>>
    tpu.enqueue_indirect_dma source(%dma_start3A_11 : memref<100000x128xf32, #tpu.memory_space<hbm>>) target(%dma_start3A_5 : memref<128x128xf32, #tpu.memory_space<vmem>>) offsets(%dma_start3A_8 : memref<128xi32, #tpu.memory_space<vmem>>) semaphore(%arg7 : memref<!tpu.dma_semaphore, #tpu.memory_space<semaphore_mem>>)
    %dma_start3A_12 = arith.constant 1 : i32
    %dma_start3A_13 = arith.constant 128 : i32
    %dma_start3A_14 = arith.constant 0 : i32
    %dma_start3A_15 = tpu.memref_slice %arg6[%dma_start3A_13, %dma_start3A_14] : memref<256x128xf32, #tpu.memory_space<vmem>> -> memref<128x128xf32, #tpu.memory_space<vmem>>
    %dma_start3A_16 = arith.constant 0 : i32
    %dma_start3A_17 = tpu.memref_slice %arg5[%dma_start3A_12, %dma_start3A_16] : memref<2x128xi32, #tpu.memory_space<vmem>> -> memref<1x128xi32, #tpu.memory_space<vmem>>
    %dma_start3A_18 = tpu.memref_squeeze %dma_start3A_17 : memref<1x128xi32, #tpu.memory_space<vmem>> -> memref<128xi32, #tpu.memory_space<vmem>>
    %dma_start3A_19 = arith.constant 0 : i32
    %dma_start3A_20 = arith.constant 0 : i32
    %dma_start3A_21 = tpu.memref_slice %arg3[%dma_start3A_19, %dma_start3A_20] : memref<100000x128xf32, #tpu.memory_space<hbm>> -> memref<100000x128xf32, #tpu.memory_space<hbm>>
    tpu.enqueue_indirect_dma source(%dma_start3A_21 : memref<100000x128xf32, #tpu.memory_space<hbm>>) target(%dma_start3A_15 : memref<128x128xf32, #tpu.memory_space<vmem>>) offsets(%dma_start3A_18 : memref<128xi32, #tpu.memory_space<vmem>>) semaphore(%arg7 : memref<!tpu.dma_semaphore, #tpu.memory_space<semaphore_mem>>)
    %dma_wait3A = arith.constant 0 : i32
    %dma_wait3A_22 = arith.constant 0 : i32
    %dma_wait3A_23 = arith.constant 0 : i32
    %dma_wait3A_24 = tpu.memref_slice %arg6[%dma_wait3A_22, %dma_wait3A_23] : memref<256x128xf32, #tpu.memory_space<vmem>> -> memref<128x128xf32, #tpu.memory_space<vmem>>
    %dma_wait3A_25 = arith.constant 0 : i32
    %dma_wait3A_26 = tpu.memref_slice %arg5[%dma_wait3A, %dma_wait3A_25] : memref<2x128xi32, #tpu.memory_space<vmem>> -> memref<1x128xi32, #tpu.memory_space<vmem>>
    %dma_wait3A_27 = tpu.memref_squeeze %dma_wait3A_26 : memref<1x128xi32, #tpu.memory_space<vmem>> -> memref<128xi32, #tpu.memory_space<vmem>>
    %dma_wait3A_28 = arith.constant 0 : i32
    %dma_wait3A_29 = arith.constant 0 : i32
    %dma_wait3A_30 = tpu.memref_slice %arg3[%dma_wait3A_28, %dma_wait3A_29] : memref<100000x128xf32, #tpu.memory_space<hbm>> -> memref<100000x128xf32, #tpu.memory_space<hbm>>
    tpu.wait_indirect_dma semaphore(%arg7 : memref<!tpu.dma_semaphore, #tpu.memory_space<semaphore_mem>>) src(%dma_wait3A_30 : memref<100000x128xf32, #tpu.memory_space<hbm>>) dst(%dma_wait3A_24 : memref<128x128xf32, #tpu.memory_space<vmem>>)
    %dma_wait3A_31 = arith.constant 1 : i32
    %dma_wait3A_32 = arith.constant 128 : i32
    %dma_wait3A_33 = arith.constant 0 : i32
    %dma_wait3A_34 = tpu.memref_slice %arg6[%dma_wait3A_32, %dma_wait3A_33] : memref<256x128xf32, #tpu.memory_space<vmem>> -> memref<128x128xf32, #tpu.memory_space<vmem>>
    %dma_wait3A_35 = arith.constant 0 : i32
    %dma_wait3A_36 = tpu.memref_slice %arg5[%dma_wait3A_31, %dma_wait3A_35] : memref<2x128xi32, #tpu.memory_space<vmem>> -> memref<1x128xi32, #tpu.memory_space<vmem>>
    %dma_wait3A_37 = tpu.memref_squeeze %dma_wait3A_36 : memref<1x128xi32, #tpu.memory_space<vmem>> -> memref<128xi32, #tpu.memory_space<vmem>>
    %dma_wait3A_38 = arith.constant 0 : i32
    %dma_wait3A_39 = arith.constant 0 : i32
    %dma_wait3A_40 = tpu.memref_slice %arg3[%dma_wait3A_38, %dma_wait3A_39] : memref<100000x128xf32, #tpu.memory_space<hbm>> -> memref<100000x128xf32, #tpu.memory_space<hbm>>
    tpu.wait_indirect_dma semaphore(%arg7 : memref<!tpu.dma_semaphore, #tpu.memory_space<semaphore_mem>>) src(%dma_wait3A_40 : memref<100000x128xf32, #tpu.memory_space<hbm>>) dst(%dma_wait3A_34 : memref<128x128xf32, #tpu.memory_space<vmem>>)
    %mul3A_41 = arith.constant 256 : i32
    %mul3A_42 = arith.muli %add3A, %mul3A_41 : i32
    "tpu.region"() ({
      %run_scoped3A = tpu.sem_alloc : memref<!tpu.dma_semaphore, #tpu.memory_space<semaphore_mem>>
      %dma_start3A_43 = arith.constant 0 : i32
      %dma_start3A_44 = tpu.memref_slice %arg4[%mul3A_42, %dma_start3A_43] : memref<8192x128xf32, #tpu.memory_space<hbm>> -> memref<256x128xf32, #tpu.memory_space<hbm>>
      %dma_start3A_45 = arith.constant 0 : i32
      %dma_start3A_46 = tpu.memref_slice %arg4[%mul3A_42, %dma_start3A_45] : memref<8192x128xf32, #tpu.memory_space<hbm>> -> memref<256x128xf32, #tpu.memory_space<hbm>>
      tpu.enqueue_dma source(%arg6 : memref<256x128xf32, #tpu.memory_space<vmem>>) target(%dma_start3A_46 : memref<256x128xf32, #tpu.memory_space<hbm>>) target_semaphore(%run_scoped3A : memref<!tpu.dma_semaphore, #tpu.memory_space<semaphore_mem>>)
      %dma_wait3A_47 = arith.constant 0 : i32
      %dma_wait3A_48 = tpu.memref_slice %arg4[%mul3A_42, %dma_wait3A_47] : memref<8192x128xf32, #tpu.memory_space<hbm>> -> memref<256x128xf32, #tpu.memory_space<hbm>>
      %dma_wait3A_49 = arith.constant 0 : i32
      %dma_wait3A_50 = tpu.memref_slice %arg4[%mul3A_42, %dma_wait3A_49] : memref<8192x128xf32, #tpu.memory_space<hbm>> -> memref<256x128xf32, #tpu.memory_space<hbm>>
      tpu.wait_dma2 semaphore(%run_scoped3A : memref<!tpu.dma_semaphore, #tpu.memory_space<semaphore_mem>>) src(%arg6 : memref<256x128xf32, #tpu.memory_space<vmem>>) dst(%dma_wait3A_50 : memref<256x128xf32, #tpu.memory_space<hbm>>)
      tpu.yield
    }) : () -> ()
    return
  }
}

module attributes {stable_mosaic.version = 14 : i64} {
  func.func @_dense_body(%arg0: i32, %arg1: i32, %arg2: memref<1x2048x128xf32, #tpu.memory_space<vmem>>, %arg3: memref<1x2048x1xi32, #tpu.memory_space<vmem>>, %arg4: memref<2048x128xf32, #tpu.memory_space<vmem>>, %arg5: memref<2x128xf32, #tpu.memory_space<vmem>>, %arg6: memref<1x128xf32, #tpu.memory_space<vmem>>, %arg7: memref<1x128xf32, #tpu.memory_space<vmem>>, %arg8: memref<128x1024xf32, #tpu.memory_space<vmem>>, %arg9: memref<1x1024xf32, #tpu.memory_space<vmem>>, %arg10: memref<1x2048x1024xf32, #tpu.memory_space<vmem>>) attributes {dimension_semantics = [#tpu.dimension_semantics<arbitrary>, #tpu.dimension_semantics<arbitrary>], iteration_bounds = array<i64: 1, 4>, scalar_prefetch = 0 : i64, scratch_operands = 0 : i64, tpu.core_type = #tpu.core_type<tc>, window_params = [{transform_indices = @transform_0, window_bounds = array<i64: 1, 2048, 128>}, {transform_indices = @transform_1, window_bounds = array<i64: 1, 2048, 1>}, {transform_indices = @transform_2, window_bounds = array<i64: 2048, 128>}, {pipeline_mode = #tpu.pipeline_mode<synchronous>, transform_indices = @transform_3, window_bounds = array<i64: 2, 128>}, {pipeline_mode = #tpu.pipeline_mode<synchronous>, transform_indices = @transform_4, window_bounds = array<i64: 1, 128>}, {pipeline_mode = #tpu.pipeline_mode<synchronous>, transform_indices = @transform_5, window_bounds = array<i64: 1, 128>}, {pipeline_mode = #tpu.pipeline_mode<synchronous>, transform_indices = @transform_6, window_bounds = array<i64: 128, 1024>}, {pipeline_mode = #tpu.pipeline_mode<synchronous>, transform_indices = @transform_7, window_bounds = array<i64: 1, 1024>}, {transform_indices = @transform_8, window_bounds = array<i64: 1, 2048, 1024>}]} {
    %get3A = arith.constant 0 : index
    %get3A_0 = arith.constant 0 : index
    %get3A_1 = arith.constant 0 : index
    %get3A_2 = vector.load %arg2[%get3A, %get3A_0, %get3A_1] : memref<1x2048x128xf32, #tpu.memory_space<vmem>>, vector<1x2048x128xf32>
    %get3A_3 = vector.shape_cast %get3A_2 : vector<1x2048x128xf32> to vector<2048x128xf32>
    %get3A_4 = arith.constant 0 : index
    %get3A_5 = arith.constant 0 : index
    %get3A_6 = arith.constant 0 : index
    %get3A_7 = vector.load %arg3[%get3A_4, %get3A_5, %get3A_6] : memref<1x2048x1xi32, #tpu.memory_space<vmem>>, vector<1x2048x1xi32>
    %get3A_8 = vector.shape_cast %get3A_7 : vector<1x2048x1xi32> to vector<2048x1xi32>
    %convert_element_type3A = arith.sitofp %get3A_8 : vector<2048x1xi32> to vector<2048x1xf32>
    %get3A_9 = arith.constant 0 : index
    %get3A_10 = arith.constant 0 : index
    %get3A_11 = vector.load %arg5[%get3A_9, %get3A_10] : memref<2x128xf32, #tpu.memory_space<vmem>>, vector<1x128xf32>
    %get3A_12 = arith.constant 1 : index
    %get3A_13 = arith.constant 0 : index
    %get3A_14 = vector.load %arg5[%get3A_12, %get3A_13] : memref<2x128xf32, #tpu.memory_space<vmem>>, vector<1x128xf32>
    %get3A_15 = arith.constant 0 : index
    %get3A_16 = arith.constant 0 : index
    %get3A_17 = vector.load %arg4[%get3A_15, %get3A_16] : memref<2048x128xf32, #tpu.memory_space<vmem>>, vector<2048x128xf32>
    %add3A = arith.addf %get3A_3, %get3A_17 : vector<2048x128xf32>
    %add3A_18 = vector.broadcast %get3A_11 : vector<1x128xf32> to vector<2048x128xf32>
    %add3A_19 = arith.addf %add3A, %add3A_18 : vector<2048x128xf32>
    %sub3A = arith.subf %get3A_14, %get3A_11 : vector<1x128xf32>
    %mul3A = vector.broadcast %convert_element_type3A : vector<2048x1xf32> to vector<2048x128xf32>
    %mul3A_20 = vector.broadcast %sub3A : vector<1x128xf32> to vector<2048x128xf32>
    %mul3A_21 = arith.mulf %mul3A, %mul3A_20 : vector<2048x128xf32>
    %add3A_22 = arith.addf %add3A_19, %mul3A_21 : vector<2048x128xf32>
    %reduce_sum3A = arith.constant dense<0.000000e+00> : vector<2048xf32>
    %reduce_sum3A_23 = vector.multi_reduction <add>, %add3A_22, %reduce_sum3A [1] : vector<2048x128xf32> to vector<2048xf32>
    %broadcast_in_dim3A = vector.shape_cast %reduce_sum3A_23 : vector<2048xf32> to vector<2048x1xf32>
    %div3A = arith.constant 1.280000e+02 : f32
    %div3A_24 = vector.broadcast %div3A : f32 to vector<2048x1xf32>
    %div3A_25 = arith.divf %broadcast_in_dim3A, %div3A_24 : vector<2048x1xf32>
    %sub3A_26 = vector.broadcast %div3A_25 : vector<2048x1xf32> to vector<2048x128xf32>
    %sub3A_27 = arith.subf %add3A_22, %sub3A_26 : vector<2048x128xf32>
    %mul3A_28 = arith.mulf %sub3A_27, %sub3A_27 : vector<2048x128xf32>
    %reduce_sum3A_29 = arith.constant dense<0.000000e+00> : vector<2048xf32>
    %reduce_sum3A_30 = vector.multi_reduction <add>, %mul3A_28, %reduce_sum3A_29 [1] : vector<2048x128xf32> to vector<2048xf32>
    %broadcast_in_dim3A_31 = vector.shape_cast %reduce_sum3A_30 : vector<2048xf32> to vector<2048x1xf32>
    %div3A_32 = arith.constant 1.280000e+02 : f32
    %div3A_33 = vector.broadcast %div3A_32 : f32 to vector<2048x1xf32>
    %div3A_34 = arith.divf %broadcast_in_dim3A_31, %div3A_33 : vector<2048x1xf32>
    %add3A_35 = arith.constant 9.99999974E-6 : f32
    %add3A_36 = vector.broadcast %add3A_35 : f32 to vector<2048x1xf32>
    %add3A_37 = arith.addf %div3A_34, %add3A_36 : vector<2048x1xf32>
    %rsqrt3A = math.rsqrt %add3A_37 : vector<2048x1xf32>
    %mul3A_38 = vector.broadcast %rsqrt3A : vector<2048x1xf32> to vector<2048x128xf32>
    %mul3A_39 = arith.mulf %sub3A_27, %mul3A_38 : vector<2048x128xf32>
    %get3A_40 = arith.constant 0 : index
    %get3A_41 = arith.constant 0 : index
    %get3A_42 = vector.load %arg6[%get3A_40, %get3A_41] : memref<1x128xf32, #tpu.memory_space<vmem>>, vector<1x128xf32>
    %mul3A_43 = vector.broadcast %get3A_42 : vector<1x128xf32> to vector<2048x128xf32>
    %mul3A_44 = arith.mulf %mul3A_39, %mul3A_43 : vector<2048x128xf32>
    %get3A_45 = arith.constant 0 : index
    %get3A_46 = arith.constant 0 : index
    %get3A_47 = vector.load %arg7[%get3A_45, %get3A_46] : memref<1x128xf32, #tpu.memory_space<vmem>>, vector<1x128xf32>
    %add3A_48 = vector.broadcast %get3A_47 : vector<1x128xf32> to vector<2048x128xf32>
    %add3A_49 = arith.addf %mul3A_44, %add3A_48 : vector<2048x128xf32>
    %get3A_50 = arith.constant 0 : index
    %get3A_51 = arith.constant 0 : index
    %get3A_52 = vector.load %arg8[%get3A_50, %get3A_51] : memref<128x1024xf32, #tpu.memory_space<vmem>>, vector<128x1024xf32>
    %dot_general3A = arith.constant dense<0.000000e+00> : vector<2048x1024xf32>
    %dot_general3A_53 = tpu.matmul %add3A_49, %get3A_52, %dot_general3A {dimension_numbers = #tpu.dot_dimension_numbers<[1], [0], [0], [1], [0, 0, 1, 1], [], []>, transpose_lhs_hint = false} : vector<2048x128xf32>, vector<128x1024xf32>, vector<2048x1024xf32> -> vector<2048x1024xf32>
    %get3A_54 = arith.constant 0 : index
    %get3A_55 = arith.constant 0 : index
    %get3A_56 = vector.load %arg9[%get3A_54, %get3A_55] : memref<1x1024xf32, #tpu.memory_space<vmem>>, vector<1x1024xf32>
    %add3A_57 = vector.broadcast %get3A_56 : vector<1x1024xf32> to vector<2048x1024xf32>
    %add3A_58 = arith.addf %dot_general3A_53, %add3A_57 : vector<2048x1024xf32>
    %swap3A = arith.constant 0 : index
    %swap3A_59 = arith.constant 0 : index
    %swap3A_60 = arith.constant 0 : index
    %swap3A_61 = vector.load %arg10[%swap3A, %swap3A_59, %swap3A_60] : memref<1x2048x1024xf32, #tpu.memory_space<vmem>>, vector<1x2048x1024xf32>
    %swap3A_62 = vector.shape_cast %swap3A_61 : vector<1x2048x1024xf32> to vector<2048x1024xf32>
    %swap3A_63 = vector.shape_cast %add3A_58 : vector<2048x1024xf32> to vector<1x2048x1024xf32>
    tpu.vector_store %arg10[%swap3A, %swap3A_59, %swap3A_60], %swap3A_63 {strides = array<i32>} : memref<1x2048x1024xf32, #tpu.memory_space<vmem>>, vector<1x2048x1024xf32>,
    return
  }
  func.func @transform_0(%arg0: i32, %arg1: i32) -> (i32, i32, i32) {
    %c0_i32 = arith.constant 0 : i32
    %c0_i32_0 = arith.constant 0 : i32
    return %arg1, %arg0, %c0_i32 : i32, i32, i32
  }
  func.func @transform_1(%arg0: i32, %arg1: i32) -> (i32, i32, i32) {
    %c0_i32 = arith.constant 0 : i32
    %c0_i32_0 = arith.constant 0 : i32
    return %arg1, %arg0, %c0_i32 : i32, i32, i32
  }
  func.func @transform_2(%arg0: i32, %arg1: i32) -> (i32, i32) {
    %c0_i32 = arith.constant 0 : i32
    %c0_i32_0 = arith.constant 0 : i32
    return %arg0, %c0_i32 : i32, i32
  }
  func.func @transform_3(%arg0: i32, %arg1: i32) -> (i32, i32) {
    %c0_i32 = arith.constant 0 : i32
    %c0_i32_0 = arith.constant 0 : i32
    %c0_i32_1 = arith.constant 0 : i32
    return %c0_i32, %c0_i32_0 : i32, i32
  }
  func.func @transform_4(%arg0: i32, %arg1: i32) -> (i32, i32) {
    %c0_i32 = arith.constant 0 : i32
    %c0_i32_0 = arith.constant 0 : i32
    %c0_i32_1 = arith.constant 0 : i32
    return %c0_i32, %c0_i32_0 : i32, i32
  }
  func.func @transform_5(%arg0: i32, %arg1: i32) -> (i32, i32) {
    %c0_i32 = arith.constant 0 : i32
    %c0_i32_0 = arith.constant 0 : i32
    %c0_i32_1 = arith.constant 0 : i32
    return %c0_i32, %c0_i32_0 : i32, i32
  }
  func.func @transform_6(%arg0: i32, %arg1: i32) -> (i32, i32) {
    %c0_i32 = arith.constant 0 : i32
    %c0_i32_0 = arith.constant 0 : i32
    %c0_i32_1 = arith.constant 0 : i32
    return %c0_i32, %c0_i32_0 : i32, i32
  }
  func.func @transform_7(%arg0: i32, %arg1: i32) -> (i32, i32) {
    %c0_i32 = arith.constant 0 : i32
    %c0_i32_0 = arith.constant 0 : i32
    %c0_i32_1 = arith.constant 0 : i32
    return %c0_i32, %c0_i32_0 : i32, i32
  }
  func.func @transform_8(%arg0: i32, %arg1: i32) -> (i32, i32, i32) {
    %c0_i32 = arith.constant 0 : i32
    %c0_i32_0 = arith.constant 0 : i32
    return %arg1, %arg0, %c0_i32 : i32, i32, i32
  }
}

</mosaic_0001>

<sc_bundles>
// kernel: kernel.4.cloned.1.call-start
scs
__scs_entry_jumppad:
0x0: {  	(pc) =	sbr.rel $0x88, $3  }
0x1: {  	(tag) =	ssettag $0x0;
	lr =	simm.s32 $0x1  }
0x2: {  	[smem:$0x3F98] =	sst lr;
	_ =	strace $0xD0000000  }
0x3: {  	_ = 	snop  }
0x4: {  	_ = 	snop  }
0x5: {  	_ = 	snop  }
0x6: {  	_ = 	snop  }
0x7: {  	_ = 	snop  }
__scs_overlays_trampoline_lowered:
0x8: {  	[smem:$0x3FA7] =	sst s0  }
0x9: {  	[smem:$0x3FA8] =	sst s1  }
0xa: {  	[smem:$0x3FA9] =	sst s2  }
0xb: {  	[smem:$0x3FAA] =	sst s3  }
0xc: {  	[smem:$0x3FAB] =	sst s4  }
0xd: {  	[smem:$0x3FAC] =	sst s5  }
0xe: {  	[smem:$0x3FAD] =	sst s6  }
0xf: {  	[smem:$0x3FAE] =	sst s7  }
0x10: {  	[smem:$0x3FAF] =	sst s8  }
0x11: {  	[smem:$0x3FB0] =	sst s9;
	s0 =	simm.s32 @!p0 $0x0  }
0x12: {  	s1 =	sld [smem:$0x3F96];
	s0 =	simm.s32 @p0 $0x1  }
0x13: {  	[smem:$0x3FB1] =	sst s0;
	s0 =	simm.s32 @!p1 $0x0  }
0x14: {  	s2 =	sld [smem:$0x3F95];
	s0 =	simm.s32 @p1 $0x1  }
0x15: {  	[smem:$0x3FB2] =	sst s0;
	s0 =	simm.s32 @!p2 $0x0  }
0x16: {  	s3 =	sld [smem:$0x3FDB];
	s0 =	simm.s32 @p2 $0x1  }
0x17: {  	s4 =	simm.s32 $0x1BF5;
	[smem:$0x3FB4] =	sst s0  }
0x18: {  	s0 =	sld [smem:$0x3F97];
	_ =	swait.ge [sflag:s4], $0x0  }
0x19: {  	s7 =	sld [smem:$0x3F98]  }
0x1a: {  	s8 =	sadd.s32 $0xFFFFE003, lr  }
0x1b: {  	s9 =	sadd.s32 $0xFFFFFEF7, lr;
	s5 =	simm.s32 $0xFFFFFFFF;
	p2 =	slt.u32 s8, $0xFFFFF086  }
0x1c: {  	p1 =	slt.u32 s9, $0xF7A;
	s5 =	simm.s32 @!p2 $0x0  }
0x1d: {  	s5 =	simm.s32 @p1 $0x1;
	p0 =	seq.s32 s7, s2  }
0x1e: {  	s7 =	smul.u32 @!p0 $0xF7A, s2;
	p2 =	seq.s32 @!p0 s5, $0x0  }
0x1f: {  	s9 =	smul.u32 $0xF7A, s1;
	s8 =	simm.s32 @!p0 $0x1BF5;
	p2 =	por !p2, p0  }
0x20: {  	[sflag:s8] =	ssyncset.s32 @!p0 $0xFFFFF086;
	s6 =	sadd.s32 @!p0 s3, s7;
	s7 =	simm.s32 @!p0 $0x108  }
0x21: {  	s3 =	sadd.s32 s3, s9;
	s6 =	sadd.s32 @!p0 $0x88, s6;
	s7 =	simm.s32 @p2 $0x1082  }
0x22: {  	[simem:s7], [sflag:s8] =	dma.local @!p0 [hbm:s6], $0xF7A  }
0x23: {  	s9 =	sor.u32 $0xD0000000, s2;
	s6 =	simm.s32 $0x108;
	_ =	swait.ge @!p0 [sflag:s8], $0x0  }
0x24: {  	s3 =	sadd.s32 $0x88, s3;
	s6 =	simm.s32 @!p1 $0x1082;
	[sflag:s4] =	ssyncset.s32 $0xFFFFF086  }
0x25: {  	[simem:s6], [sflag:s4] =	dma.local [hbm:s3], $0xF7A  }
0x26: {  	[smem:$0x3F98] =	sst s1;
	(tag) =	ssettag s2;
	_ =	strace s9  }
0x27: {  	s1 =	sld [smem:$0x3FA8]  }
0x28: {  	s2 =	sld [smem:$0x3FA9]  }
0x29: {  	s4 =	sld [smem:$0x3FAB]  }
0x2a: {  	p0 =	seq.s32 s5, $0x0;
	s5 =	sld [smem:$0x3FAC]  }
0x2b: {  	s6 =	sld [smem:$0x3FAD]  }
0x2c: {  	s7 =	sld [smem:$0x3FAE]  }
0x2d: {  	s3 =	simm.s32 $0x108;
	s8 =	sld [smem:$0x3FAF]  }
0x2e: {  	s3 =	simm.s32 @!p0 $0x1082;
	s9 =	sld [smem:$0x3FB0]  }
0x2f: {  	lr =	sadd.s32 s0, s3;
	s0 =	sld [smem:$0x3FA7]  }
0x30: {  	s3 =	sld [smem:$0x3FAA]  }
0x31: {  	[smem:$0x3FB3] =	sst s10  }
0x32: {  	s10 =	sld [smem:$0x3FB1];
	_ =	sdelay $0x3  }
0x33: {  	p0 =	seq.s32 s10, $0x1;
	s10 =	sld [smem:$0x3FB3];
	_ =	sdelay $0x3  }
0x34: {  	[smem:$0x3FB3] =	sst s10  }
0x35: {  	s10 =	sld [smem:$0x3FB2];
	_ =	sdelay $0x3  }
0x36: {  	p1 =	seq.s32 s10, $0x1;
	s10 =	sld [smem:$0x3FB3];
	_ =	sdelay $0x3  }
0x37: {  	[smem:$0x3FB3] =	sst s10  }
0x38: {  	s10 =	sld [smem:$0x3FB4]  }
0x39: {  	_ = 	snop;
	(pc) =	sbr.ind lr, $3  }
0x3a: {  	_ = 	snop  }
0x3b: {  	_ = 	snop  }
0x3c: {  	p2 =	seq.s32 s10, $0x1;
	s10 =	sld [smem:$0x3FB3]  }
0x3d: {  	_ =	shalt  }
0x3e: {  	_ =	shalt  }
0x3f: {  	_ =	shalt  }
0x40: {  	_ =	shalt  }
0x41: {  	_ =	shalt  }
0x42: {  	_ =	shalt  }
0x43: {  	_ =	shalt  }
0x44: {  	_ =	shalt  }
0x45: {  	_ =	shalt  }
0x46: {  	_ =	shalt  }
0x47: {  	_ =	shalt  }
0x48: {  	_ =	shalt  }
0x49: {  	_ =	shalt  }
0x4a: {  	_ =	shalt  }
0x4b: {  	_ =	shalt  }
0x4c: {  	_ =	shalt  }
0x4d: {  	_ =	shalt  }
0x4e: {  	_ =	shalt  }
0x4f: {  	_ =	shalt  }
0x50: {  	_ =	shalt  }
0x51: {  	_ =	shalt  }
0x52: {  	_ =	shalt  }
0x53: {  	_ =	shalt  }
0x54: {  	_ =	shalt  }
0x55: {  	_ =	shalt  }
0x56: {  	_ =	shalt  }
0x57: {  	_ =	shalt  }
0x58: {  	_ =	shalt  }
0x59: {  	_ =	shalt  }
0x5a: {  	_ =	shalt  }
0x5b: {  	_ =	shalt  }
0x5c: {  	_ =	shalt  }
0x5d: {  	_ =	shalt  }
0x5e: {  	_ =	shalt  }
0x5f: {  	_ =	shalt  }
0x60: {  	_ =	shalt  }
0x61: {  	_ =	shalt  }
0x62: {  	_ =	shalt  }
0x63: {  	_ =	shalt  }
0x64: {  	_ =	shalt  }
0x65: {  	_ =	shalt  }
0x66: {  	_ =	shalt  }
0x67: {  	_ =	shalt  }
0x68: {  	_ =	shalt  }
0x69: {  	_ =	shalt  }
0x6a: {  	_ =	shalt  }
0x6b: {  	_ =	shalt  }
0x6c: {  	_ =	shalt  }
0x6d: {  	_ =	shalt  }
0x6e: {  	_ =	shalt  }
0x6f: {  	_ =	shalt  }
0x70: {  	_ =	shalt  }
0x71: {  	_ =	shalt  }
0x72: {  	_ =	shalt  }
0x73: {  	_ =	shalt  }
0x74: {  	_ =	shalt  }
0x75: {  	_ =	shalt  }
0x76: {  	_ =	shalt  }
0x77: {  	_ =	shalt  }
0x78: {  	_ =	shalt  }
0x79: {  	_ =	shalt  }
0x7a: {  	_ =	shalt  }
0x7b: {  	_ =	shalt  }
0x7c: {  	_ =	shalt  }
0x7d: {  	_ =	shalt  }
0x7e: {  	_ =	shalt  }
0x7f: {  	_ =	shalt  }
0x80: {  	_ =	shalt  }
0x81: {  	_ =	shalt  }
0x82: {  	_ =	shalt  }
0x83: {  	_ =	shalt  }
0x84: {  	_ =	shalt  }
0x85: {  	_ =	shalt  }
0x86: {  	_ =	shalt  }
0x87: {  	_ =	shalt  }
.Lfunc_end0:
.L_simem_size_0:
called_computation_lowered:
.L_overlay_start_0:
0x88: {  	s2 =	sld [smem:$0x3FD9]  }
0x89: {  	s3 =	sld [smem:$0x3FFE];
	_ =	sdelay $0x1  }
0x8a: {  	s1 =	srdreg.scid  }
0x8b: {  	s0 =	sand.u32 $0x1, s1  }
0x8c: {  	s17 =	sshll.u32 s0, $0xA;
	s2 =	sadd.s32 s3, s2  }
0x8d: {  	s2 =	sadd.s32 s2, s17  }
0x8e: {  	[smem:$0x3FBF] =	sst s2  }
0x8f: {  	_ = 	snop  }
0x90: {  	s2 =	sld [smem:$0x3FC7]  }
0x91: {  	s18 =	sld [smem:$0x3FD0];
	(tm) =	ssettm $0x1  }
0x92: {  	s4 =	sld [smem:$0x3FFB];
	_ =	sdelay $0x3  }
0x93: {  	_ =	strace s4  }
0x94: {  	s4 =	sld [smem:$0x3FFC];
	_ =	sdelay $0x3  }
0x95: {  	_ =	strace s4  }
0x96: {  	s4 =	sld [smem:$0x3FFD];
	_ =	sdelay $0x3  }
0x97: {  	_ =	strace s4  }
0x98: {  	_ =	strace $0x8FFFFFFF  }
0x99: {  	s19 =	sld [smem:$0x3FDB];
	_ =	sdelay $0x1  }
0x9a: {  	s5 =	simm.s32 $_scs_section_size  }
0x9b: {  	s6 =	simm.s32 $_size__tile_overlayer_lowered;
	s7 =	simm.s32 $_tile_overlayer_lowered  }
0x9c: {  	s22 =	simm.s32 $0x1BFF;
	s21 =	sshll.u32 s7, $0x1;
	s4 =	sadd.s32 s5, s19  }
0x9d: {  	s8 =	simm.s32 $0x0;
	s20 =	sshll.u32 s6, $0x1;
	s6 =	sadd.s32 s21, s4  }
0x9e: {  	[timem:s8], [sflag:s22] =	dma.local [hbm:s6], s20  }
0x9f: {  	_ =	swait.ge [sflag:s22], s20  }
0xa0: {  	s5 =	ssub.s32 $0x0, s20;
	[sflag:s22] =	ssyncset.done $0x0  }
0xa1: {  	[sflag:s22] =	ssyncadd.s32 s5;
	_ =	sdelay $0x1  }
0xa2: {  	s23 =	simm.s32 $0x1B8B  }
0xa3: {  	_ =	swait.ge [sflag:s23], $0x1  }
0xa4: {  	[sflag:s23] =	ssyncset.done $0x0  }
0xa5: {  	s25 =	simm.s32 $0x1B8E;
	s24 =	sld [smem:$0x3FFE];
	[sflag:s23] =	ssyncadd.s32 $0xFFFFFFFF  }
0xa6: {  	s26 =	simm.s32 $execute0_lowered;
	[smem:$0x3FD2] =	sst s25  }
0xa7: {  	s6 =	sshll.u32 s26, $0x1;
	_ =	strace $0x80000046;
	[dreg:$0x1] =	wrdreg $0xFFFFFFFF  }
0xa8: {  	s28 =	simm.s32 $_size_execute0_lowered;
	s4 =	sadd.s32 s4, s6;
	[dreg:$0x0] =	wrdreg $0x0  }
0xa9: {  	s6 =	sshll.u32 s28, $0x1;
	[dreg:$0x2] =	wrdreg s4  }
0xaa: {  	[dreg:$0x3] =	wrdreg s6  }
0xab: {  	[dreg:$0x4] =	wrdreg $0xC0  }
0xac: {  	_ =	task [dreg:s8], $0x5FFFF  }
0xad: {  	[dreg:$0x1] =	wrdreg $0xFFFFFFFF  }
0xae: {  	[dreg:$0x0] =	wrdreg $0x60  }
0xaf: {  	[dreg:$0x2] =	wrdreg s24  }
0xb0: {  	[dreg:$0x3] =	wrdreg s2  }
0xb1: {  	[dreg:$0x4] =	wrdreg s18  }
0xb2: {  	[dreg:$0x5] =	wrdreg $0x9  }
0xb3: {  	_ =	task.clear_ibuf [dreg:s8], $0x6FFFF;
	_ =	strace $0x90000046  }
0xb4: {  	s29 =	simm.s32 $0x9;
	_ =	strace $0x80000048  }
0xb5: {  	_ =	swait.ge [sflag:s29], $0x1  }
0xb6: {  	[sflag:s29] =	ssyncadd.s32 $0xFFFFFFFF  }
0xb7: {  	_ =	strace $0x90000048  }
0xb8: {  	_ =	sfence  }
0xb9: {  	s30 =	sld [smem:$0x0];
	_ =	sdelay $0x2  }
0xba: {  	s31 =	sshll.u32 s1, $0xD;
	s1 =	sshrl.u32 s1, $0x2  }
0xbb: {  	s3 =	sand.u32 $0x4000, s31;
	s1 =	sadd.s32 s1, s30  }
0xbc: {  	s0 =	sor.u32 s3, s0;
	s1 =	sshll.u32 s1, $0x11  }
0xbd: {  	s0 =	sor.u32 s1, s0  }
0xbe: {  	s0 =	sadd.s32 $0x8F2B, s0  }
0xbf: {  	[sflag:s0] =	ssyncadd.remote.s32 $0x1  }
0xc0: {  	_ =	sfence.sel $0xFFFF  }
0xc1: {  	[dreg:$0x0] =	wrdreg $0xFFFFFFFF;
	(pc) =	sbr.abs _section_cstart, $3  }
0xc2: {  	[dreg:$0x1] =	wrdreg $0xFFFFFFFF  }
0xc3: {  	_ =	task.clear_ibuf [dreg:s8], $0x2FFFF;
	_ =	strace $0x9FFFFFFF  }
0xc4: {  	(tm) =	ssettm $0x7FFFFFFF  }
0xc5: {  	_ =	shalt  }
tec
execute0_lowered:
.L_overlay_start_1:
0x0: {  	(tag) =	ssettag $0x1  }
0x1: {  	s4 =	rddreg [dreg:$0x0]  }
0x2: {  	s1 =	srdreg.scid;
	s0 =	stileid.u32  }
0x3: {  	s2 =	rddreg [dreg:$0x1];
	s10 =	sand.u32 $0x1, s1;
	s29 =	sshll.u32 s0, $0x1  }
0x4: {  	s11 =	rddreg [dreg:$0x2];
	s12 =	sor.u32 s10, s29  }
0x5: {  	s3 =	simm.s32 $0x0;
	s1 =	rddreg [dreg:$0x3];
	s5 =	sshll.u32 s12, $0x5  }
0x6: {  	[smem:$0x7FF] =	sst s3;
	s4 =	sadd.s32 s5, s4  }
0x7: {  	_ =	strace $0x80000047;
	s5 =	sadd.s32 $0x1400, s4;
	s4 =	simm.s32 $0x2  }
0x8: {  	[tilespmem:s3], [sflag:$0x2] =	stream.linear.gather [hbm4b:s5+s3], $0x100, $0x38;
	[tilespmem:$0x8100] =	vst v63  }
0x9: {  	_ =	swait.ge [sflag:s4], $0x100  }
0xa: {  	[sflag:s4] =	ssyncset.done $0x0  }
0xb: {  	s6 =	simm.s32 $0x80;
	s7 =	simm.s32 $0x100;
	[sflag:s4] =	ssyncadd.s32 $0xFFFFFF00  }
0xc: {  	[tilespmem:s7], [sflag:$0x1] =	stream.indirect.gather [hbm4b:s2+s6], $0x80, s3, s6, $0xb8;
	[tilespmem:$0x8100] =	vst v63  }
0xd: {  	s8 =	simm.s32 $0x4100;
	s9 =	simm.s32 $0x1;
	s10 =	ssub.s32 $0x2, s10  }
0xe: {  	[tilespmem:s8], [sflag:$0x1] =	stream.indirect.gather [hbm4b:s2+s6], $0x80, s6, s6, $0xb8;
	[tilespmem:$0x8100] =	vst v63  }
0xf: {  	s13 =	sshrl.u32 s10, $0x1;
	_ =	swait.ge [sflag:s9], $0x4000  }
0x10: {  	s13 =	ssub.s32 s10, s13;
	[sflag:s9] =	ssyncset.done $0x0  }
0x11: {  	s31 =	smax.u32 s13, $0x1;
	[sflag:s9] =	ssyncadd.s32 $0xFFFFC000  }
0x12: {  	p0 =	sne.s32 s31, $0x1;
	_ =	swait.ge [sflag:s9], $0x4000  }
.Ltmp0:
0x13: {  	s30 =	sshll.u32 s12, $0xC;
	[sflag:s9] =	ssyncset.done $0x0;
	(pc) =	sbr.rel @!p0 .LBB2_2-.Ltmp0, $4  }
0x14: {  	s10 =	sadd.s32 s11, s30;
	[sflag:s9] =	ssyncadd.s32 $0xFFFFC000  }
0x15: {  	[hbm4b:s10+s3] =	stream.linear.scatter [tilespmem:s7], [sflag:$0x2], $0x8000, $0x38;
	[tilespmem:$0x8100] =	vst v63  }
0x16: {  	_ =	swait.ge [sflag:s4], $0x8000  }
0x17: {  	s11 =	sadd.s32 $0xFFFFFFFF, s31;
	[sflag:s4] =	ssyncset.done $0x0  }
.LBB2_1:
0x18: {  	p0 =	sne.s32 s11, $0x1;
	s11 =	sadd.s32 $0xFFFFFFFF, s11;
	[sflag:s4] =	ssyncadd.s32 $0xFFFF8000  }
0x19: {  	[tilespmem:s3], [sflag:$0x2] =	stream.linear.gather [hbm4b:s5+s3], $0x100, $0x38;
	[tilespmem:$0x8100] =	vst v63  }
0x1a: {  	_ =	swait.ge [sflag:s4], $0x100  }
0x1b: {  	[sflag:s4] =	ssyncset.done $0x0  }
0x1c: {  	[sflag:s4] =	ssyncadd.s32 $0xFFFFFF00  }
0x1d: {  	[tilespmem:s7], [sflag:$0x1] =	stream.indirect.gather [hbm4b:s2+s6], $0x80, s3, s6, $0xb8;
	[tilespmem:$0x8100] =	vst v63  }
0x1e: {  	_ = 	snop  }
0x1f: {  	[tilespmem:s8], [sflag:$0x1] =	stream.indirect.gather [hbm4b:s2+s6], $0x80, s6, s6, $0xb8;
	[tilespmem:$0x8100] =	vst v63  }
0x20: {  	_ =	swait.ge [sflag:s9], $0x4000  }
0x21: {  	[sflag:s9] =	ssyncset.done $0x0  }
0x22: {  	[sflag:s9] =	ssyncadd.s32 $0xFFFFC000  }
0x23: {  	_ =	swait.ge [sflag:s9], $0x4000  }
.Ltmp1:
0x24: {  	[sflag:s9] =	ssyncset.done $0x0;
	(pc) =	sbr.rel @p0 .LBB2_1-.Ltmp1, $4  }
0x25: {  	[sflag:s9] =	ssyncadd.s32 $0xFFFFC000  }
0x26: {  	[hbm4b:s10+s3] =	stream.linear.scatter [tilespmem:s7], [sflag:$0x2], $0x8000, $0x38;
	[tilespmem:$0x8100] =	vst v63  }
0x27: {  	_ =	swait.ge [sflag:s4], $0x8000  }
0x28: {  	[sflag:s4] =	ssyncset.done $0x0  }
.LBB2_2:
0x29: {  	[sflag:s4] =	ssyncadd.s32 $0xFFFF8000  }
0x2a: {  	_ =	sfence.sel $0x180000  }
0x2b: {  	[bflag:$0x0] =	sbarrier.arrive $0xFFFF  }
0x2c: {  	p0 =	sne.s32 s0, $0x0;
	_ =	strace $0x90000047  }
0x2d: {  	s0 =	sadd.s32 @!p0 $0x100000, s1;
	[bflag:$0x2] =	sbarrier.arrive $0xFFFF  }
0x2e: {  	[sflag:s0] =	ssyncadd.tile.s32 @!p0 $0x1;
	_ =	shalt  }
.Lfunc_end2:
_tile_overlayer_lowered:
.L_overlay_start_2:
0x2f: {  	(tag) =	ssettag $0x2  }
0x30: {  	s0 =	rddreg [dreg:$0x0];
	s2 =	stileid.u32  }
0x31: {  	s1 =	rddreg [dreg:$0x1];
	p0 =	sne.s32 s2, $0x0  }
0x32: {  	s3 =	rddreg [dreg:$0x2];
	[bflag:$0x3] =	sbarrier.arrive $0xFFFF;
	s2 =	simm.s32 @!p0 $0x1C02  }
0x33: {  	[timem:s3], [sflag:s2] =	dma.local @!p0 [hbm:s0], s1  }
0x34: {  	s0 =	simm.s32 @!p0 $0x2  }
0x35: {  	_ =	swait.ge @!p0 [sflag:s0], s1  }
0x36: {  	s1 =	ssub.s32 @!p0 $0x0, s1;
	[sflag:s0] =	ssyncset.done @!p0 $0x0  }
0x37: {  	[sflag:s0] =	ssyncadd.s32 @!p0 s1  }
0x38: {  	[bflag:$0x3] =	sbarrier.arrive $0xFFFF  }
0x39: {  	_ =	shalt  }

</sc_bundles>
